<compile_context>
chip_gen: v7x
topology: tpu7x:2x2x1
jax: 0.10.2.dev20260603
libtpu: 0.0.44.dev20260713+nightly
codegen_flags: <defaults>
</compile_context>

<pallas_src>
import functools

import jax
import jax.numpy as jnp
from jax import lax
from jax.experimental import pallas as pl
from jax.experimental.pallas import tpu as pltpu
from jax.experimental.pallas import tpu_sc as plsc

_V = 30522
_D = 768
_B = 4096
_S = 200

_RB = 3072
_NB = (_V + _RB - 1) // _RB
_VPAD = _NB * _RB

_NC = 2
_NS = 16
_L = 16
_NW = _NC * _NS
_BPW = _B // _NW
_G = _BPW // _L


def _matvec_body(table_ref, w_ref, b_ref, out_ref):
    s = jax.lax.dot_general(
        w_ref[...].reshape(1, _D),
        table_ref[...],
        dimension_numbers=(((1,), (1,)), ((), ())),
        preferred_element_type=jnp.float32,
    )
    out_ref[...] = s + b_ref[0]


def _table_matvec(table, w, b):
    return pl.pallas_call(
        _matvec_body,
        grid=(_NB,),
        in_specs=[
            pl.BlockSpec((_RB, _D), lambda i: (i, 0)),
            pl.BlockSpec((_D, 1), lambda i: (0, 0)),
            pl.BlockSpec(memory_space=pltpu.SMEM),
        ],
        out_specs=pl.BlockSpec((1, _RB), lambda i: (0, i)),
        out_shape=jax.ShapeDtypeStruct((1, _VPAD), jnp.float32),
    )(table, w, b)


def _sc_body(tv_hbm, ids_hbm, out_hbm, tv_v, ids_v, res_v, sem_tv, sem_ids):
    wid = lax.axis_index("s") * _NC + lax.axis_index("c")
    base = wid * _BPW
    c_tv = pltpu.async_copy(tv_hbm, tv_v, sem_tv)
    c_ids = pltpu.async_copy(
        ids_hbm.at[pl.ds(base * _S, _BPW * _S)], ids_v, sem_ids
    )
    c_tv.wait()
    c_ids.wait()

    lane_off = lax.iota(jnp.int32, _L) * _S

    def per_group(g, _):
        row_off = lane_off + g * (_L * _S)

        def per_step(s, acc):
            idx = plsc.load_gather(ids_v, [row_off + s])
            vals = plsc.load_gather(tv_v, [idx])
            return acc + vals

        acc = lax.fori_loop(0, _S, per_step, jnp.zeros((_L,), jnp.float32),
                            unroll=8)
        m = acc * (1.0 / _S)
        res_v[pl.ds(g * _L, _L)] = 1.0 / (1.0 + jnp.exp(-m))
        return 0

    lax.fori_loop(0, _G, per_group, 0)
    pltpu.sync_copy(res_v, out_hbm.at[pl.ds(base, _BPW)])


def _sc_pool(tv, ids):
    fn = pl.kernel(
        _sc_body,
        mesh=plsc.VectorSubcoreMesh(core_axis_name="c", subcore_axis_name="s"),
        compiler_params=pltpu.CompilerParams(
            needs_layout_passes=False,
            disable_bounds_checks=True,
            disable_semaphore_checks=True,
            skip_device_barrier=True,
        ),
        out_type=jax.ShapeDtypeStruct((_B,), jnp.float32),
        scratch_types=[
            pltpu.VMEM((_VPAD,), jnp.float32),
            pltpu.VMEM((_BPW * _S,), jnp.int32),
            pltpu.VMEM((_BPW,), jnp.float32),
            pltpu.SemaphoreType.DMA,
            pltpu.SemaphoreType.DMA,
        ],
    )
    return fn(tv, ids)


def kernel(input_ids, table, W, b):
    tv = _table_matvec(table, W, b).reshape(_VPAD)
    ids = input_ids.astype(jnp.int32).reshape(_B * _S)
    return _sc_pool(tv, ids).reshape(_B, 1)

# --- scband reference (transcript-rebuilt; emitter-appended) ---
"""Pipeline reference for scband-my-model-87522843558499 (READ-ONLY COPY).

The authoritative reference and input builder live on the scoring server;
editing this copy changes nothing except your own understanding.
"""

import jax, jax.numpy as jnp
import numpy as np

VOCAB = 30522
EMBED_DIM = 768
BATCH = 4096
SEQ = 200

def setup_inputs(seed: int = 0) -> dict:
    key = jax.random.key(seed)
    k1, k2, k3, k4 = jax.random.split(key, 4)
    input_ids = jax.random.randint(k1, (BATCH, SEQ), 0, VOCAB, dtype=jnp.int64 if jax.config.jax_enable_x64 else jnp.int32)
    table = jax.random.normal(k2, (VOCAB, EMBED_DIM), dtype=jnp.float32) * 0.02
    W = jax.random.normal(k3, (EMBED_DIM, 1), dtype=jnp.float32) * 0.02
    b = jnp.zeros((1,), dtype=jnp.float32)
    return {"input_ids": input_ids, "table": table, "W": W, "b": b}

def reference(input_ids, table, W, b):
    # Embedding lookup: gather rows from table
    x = jnp.take(table, input_ids, axis=0)            # [B, S, D]
    # GlobalAveragePooling1D over sequence axis
    pooled = jnp.mean(x, axis=1)                      # [B, D]
    # Dropout is identity at inference (training=False)
    logits = pooled @ W + b                           # [B, 1]
    out = jax.nn.sigmoid(logits)
    return out

if __name__ == "__main__":
    import jax
    _d = setup_inputs()
    print(jax.jit(kernel)(*tuple(_d.values())))

</pallas_src>

<mosaic_0001>
#map = affine_map<(d0, d1) -> (0)>
module attributes {stable_mosaic.version = 14 : i64} {
  func.func @_sc_body(%arg0: i32, %arg1: i32, %arg2: memref<30720xf32, #tpu.memory_space<hbm>>, %arg3: memref<819200xi32, #tpu.memory_space<hbm>>, %arg4: memref<4096xf32, #tpu.memory_space<hbm>>, %arg5: memref<30720xf32, #tpu.memory_space<vmem>>, %arg6: memref<25600xi32, #tpu.memory_space<vmem>>, %arg7: memref<128xf32, #tpu.memory_space<vmem>>, %arg8: memref<!tpu.dma_semaphore, #tpu.memory_space<semaphore_mem>>, %arg9: memref<!tpu.dma_semaphore, #tpu.memory_space<semaphore_mem>>) attributes {dimension_semantics = [#tpu.dimension_semantics<core_parallel>, #tpu.dimension_semantics<subcore_parallel>], iteration_bounds = array<i64: 2, 16>, scalar_prefetch = 0 : i64, scratch_operands = 5 : i64, tpu.core_type = #tpu.core_type<sc_vector_subcore>, window_params = [{transform_indices = #map}, {transform_indices = #map}, {transform_indices = #map}]} {
    %mul3A = arith.constant 2 : i32
    %mul3A_0 = arith.muli %arg1, %mul3A : i32
    %add3A = arith.addi %mul3A_0, %arg0 : i32
    %mul3A_1 = arith.constant 128 : i32
    %mul3A_2 = arith.muli %add3A, %mul3A_1 : i32
    tpu.enqueue_dma source(%arg2 : memref<30720xf32, #tpu.memory_space<hbm>>) target(%arg5 : memref<30720xf32, #tpu.memory_space<vmem>>) target_semaphore(%arg8 : memref<!tpu.dma_semaphore, #tpu.memory_space<semaphore_mem>>)
    %mul3A_3 = arith.constant 200 : i32
    %mul3A_4 = arith.muli %mul3A_2, %mul3A_3 : i32
    %dma_start3A = tpu.memref_slice %arg3[%mul3A_4] : memref<819200xi32, #tpu.memory_space<hbm>> -> memref<25600xi32, #tpu.memory_space<hbm>>
    %dma_start3A_5 = tpu.memref_slice %arg3[%mul3A_4] : memref<819200xi32, #tpu.memory_space<hbm>> -> memref<25600xi32, #tpu.memory_space<hbm>>
    tpu.enqueue_dma source(%dma_start3A_5 : memref<25600xi32, #tpu.memory_space<hbm>>) target(%arg6 : memref<25600xi32, #tpu.memory_space<vmem>>) target_semaphore(%arg9 : memref<!tpu.dma_semaphore, #tpu.memory_space<semaphore_mem>>)
    tpu.wait_dma2 semaphore(%arg8 : memref<!tpu.dma_semaphore, #tpu.memory_space<semaphore_mem>>) src(%arg2 : memref<30720xf32, #tpu.memory_space<hbm>>) dst(%arg5 : memref<30720xf32, #tpu.memory_space<vmem>>)
    %dma_wait3A = tpu.memref_slice %arg3[%mul3A_4] : memref<819200xi32, #tpu.memory_space<hbm>> -> memref<25600xi32, #tpu.memory_space<hbm>>
    %dma_wait3A_6 = tpu.memref_slice %arg3[%mul3A_4] : memref<819200xi32, #tpu.memory_space<hbm>> -> memref<25600xi32, #tpu.memory_space<hbm>>
    tpu.wait_dma2 semaphore(%arg9 : memref<!tpu.dma_semaphore, #tpu.memory_space<semaphore_mem>>) src(%dma_wait3A_6 : memref<25600xi32, #tpu.memory_space<hbm>>) dst(%arg6 : memref<25600xi32, #tpu.memory_space<vmem>>)
    %iota3A = tpu.iota {dimensions = array<i32: 0>} : vector<16xi32>
    %mul3A_7 = arith.constant 200 : i32
    %mul3A_8 = vector.broadcast %mul3A_7 : i32 to vector<16xi32>
    %mul3A_9 = arith.muli %iota3A, %mul3A_8 : vector<16xi32>
    %scan3A = arith.constant 0 : i32
    %scan3A_10 = arith.constant 0 : i32
    %scan3A_11 = arith.constant 8 : i32
    %scan3A_12 = arith.addi %scan3A_10, %scan3A_11 : i32
    %scan3A_13 = arith.constant 1 : i32
    %scan3A_14 = scf.for %scan3A_16 = %scan3A_10 to %scan3A_12 step %scan3A_13 iter_args(%scan3A_17 = %scan3A) -> (i32)  : i32 {
      %mul3A_18 = arith.constant 3200 : i32
      %mul3A_19 = arith.muli %scan3A_16, %mul3A_18 : i32
      %add3A_20 = vector.broadcast %mul3A_19 : i32 to vector<16xi32>
      %add3A_21 = arith.addi %mul3A_9, %add3A_20 : vector<16xi32>
      %broadcast_in_dim3A = arith.constant 0.000000e+00 : f32
      %broadcast_in_dim3A_22 = vector.broadcast %broadcast_in_dim3A : f32 to vector<16xf32>
      %scan3A_23 = arith.constant 0 : i32
      %scan3A_24 = arith.constant 200 : i32
      %scan3A_25 = arith.addi %scan3A_23, %scan3A_24 : i32
      %scan3A_26 = arith.constant 8 : i32
      %scan3A_27 = scf.for %scan3A_43 = %scan3A_23 to %scan3A_25 step %scan3A_26 iter_args(%scan3A_44 = %broadcast_in_dim3A_22) -> (vector<16xf32>)  : i32 {
        %add3A_45 = vector.broadcast %scan3A_43 : i32 to vector<16xi32>
        %add3A_46 = arith.addi %add3A_21, %add3A_45 : vector<16xi32>
        %gather3A = tpu.vector_load_idx %arg6[%add3A_46] : memref<25600xi32, #tpu.memory_space<vmem>>[vector<16xi32>], vector<16xi32>,
        %gather3A_47 = tpu.vector_load_idx %arg5[%gather3A] : memref<30720xf32, #tpu.memory_space<vmem>>[vector<16xi32>], vector<16xf32>,
        %add3A_48 = arith.addf %scan3A_44, %gather3A_47 : vector<16xf32>
        %scan3A_49 = arith.constant 1 : i32
        %scan3A_50 = arith.addi %scan3A_43, %scan3A_49 : i32
        %add3A_51 = vector.broadcast %scan3A_50 : i32 to vector<16xi32>
        %add3A_52 = arith.addi %add3A_21, %add3A_51 : vector<16xi32>
        %gather3A_53 = tpu.vector_load_idx %arg6[%add3A_52] : memref<25600xi32, #tpu.memory_space<vmem>>[vector<16xi32>], vector<16xi32>,
        %gather3A_54 = tpu.vector_load_idx %arg5[%gather3A_53] : memref<30720xf32, #tpu.memory_space<vmem>>[vector<16xi32>], vector<16xf32>,
        %add3A_55 = arith.addf %add3A_48, %gather3A_54 : vector<16xf32>
        %scan3A_56 = arith.constant 2 : i32
        %scan3A_57 = arith.addi %scan3A_43, %scan3A_56 : i32
        %add3A_58 = vector.broadcast %scan3A_57 : i32 to vector<16xi32>
        %add3A_59 = arith.addi %add3A_21, %add3A_58 : vector<16xi32>
        %gather3A_60 = tpu.vector_load_idx %arg6[%add3A_59] : memref<25600xi32, #tpu.memory_space<vmem>>[vector<16xi32>], vector<16xi32>,
        %gather3A_61 = tpu.vector_load_idx %arg5[%gather3A_60] : memref<30720xf32, #tpu.memory_space<vmem>>[vector<16xi32>], vector<16xf32>,
        %add3A_62 = arith.addf %add3A_55, %gather3A_61 : vector<16xf32>
        %scan3A_63 = arith.constant 3 : i32
        %scan3A_64 = arith.addi %scan3A_43, %scan3A_63 : i32
        %add3A_65 = vector.broadcast %scan3A_64 : i32 to vector<16xi32>
        %add3A_66 = arith.addi %add3A_21, %add3A_65 : vector<16xi32>
        %gather3A_67 = tpu.vector_load_idx %arg6[%add3A_66] : memref<25600xi32, #tpu.memory_space<vmem>>[vector<16xi32>], vector<16xi32>,
        %gather3A_68 = tpu.vector_load_idx %arg5[%gather3A_67] : memref<30720xf32, #tpu.memory_space<vmem>>[vector<16xi32>], vector<16xf32>,
        %add3A_69 = arith.addf %add3A_62, %gather3A_68 : vector<16xf32>
        %scan3A_70 = arith.constant 4 : i32
        %scan3A_71 = arith.addi %scan3A_43, %scan3A_70 : i32
        %add3A_72 = vector.broadcast %scan3A_71 : i32 to vector<16xi32>
        %add3A_73 = arith.addi %add3A_21, %add3A_72 : vector<16xi32>
        %gather3A_74 = tpu.vector_load_idx %arg6[%add3A_73] : memref<25600xi32, #tpu.memory_space<vmem>>[vector<16xi32>], vector<16xi32>,
        %gather3A_75 = tpu.vector_load_idx %arg5[%gather3A_74] : memref<30720xf32, #tpu.memory_space<vmem>>[vector<16xi32>], vector<16xf32>,
        %add3A_76 = arith.addf %add3A_69, %gather3A_75 : vector<16xf32>
        %scan3A_77 = arith.constant 5 : i32
        %scan3A_78 = arith.addi %scan3A_43, %scan3A_77 : i32
        %add3A_79 = vector.broadcast %scan3A_78 : i32 to vector<16xi32>
        %add3A_80 = arith.addi %add3A_21, %add3A_79 : vector<16xi32>
        %gather3A_81 = tpu.vector_load_idx %arg6[%add3A_80] : memref<25600xi32, #tpu.memory_space<vmem>>[vector<16xi32>], vector<16xi32>,
        %gather3A_82 = tpu.vector_load_idx %arg5[%gather3A_81] : memref<30720xf32, #tpu.memory_space<vmem>>[vector<16xi32>], vector<16xf32>,
        %add3A_83 = arith.addf %add3A_76, %gather3A_82 : vector<16xf32>
        %scan3A_84 = arith.constant 6 : i32
        %scan3A_85 = arith.addi %scan3A_43, %scan3A_84 : i32
        %add3A_86 = vector.broadcast %scan3A_85 : i32 to vector<16xi32>
        %add3A_87 = arith.addi %add3A_21, %add3A_86 : vector<16xi32>
        %gather3A_88 = tpu.vector_load_idx %arg6[%add3A_87] : memref<25600xi32, #tpu.memory_space<vmem>>[vector<16xi32>], vector<16xi32>,
        %gather3A_89 = tpu.vector_load_idx %arg5[%gather3A_88] : memref<30720xf32, #tpu.memory_space<vmem>>[vector<16xi32>], vector<16xf32>,
        %add3A_90 = arith.addf %add3A_83, %gather3A_89 : vector<16xf32>
        %scan3A_91 = arith.constant 7 : i32
        %scan3A_92 = arith.addi %scan3A_43, %scan3A_91 : i32
        %add3A_93 = vector.broadcast %scan3A_92 : i32 to vector<16xi32>
        %add3A_94 = arith.addi %add3A_21, %add3A_93 : vector<16xi32>
        %gather3A_95 = tpu.vector_load_idx %arg6[%add3A_94] : memref<25600xi32, #tpu.memory_space<vmem>>[vector<16xi32>], vector<16xi32>,
        %gather3A_96 = tpu.vector_load_idx %arg5[%gather3A_95] : memref<30720xf32, #tpu.memory_space<vmem>>[vector<16xi32>], vector<16xf32>,
        %add3A_97 = arith.addf %add3A_90, %gather3A_96 : vector<16xf32>
        scf.yield %add3A_97 : vector<16xf32>
      }
      %scan3A_28 = arith.constant 200 : i32
      %mul3A_29 = arith.constant 5.000000e-03 : f32
      %mul3A_30 = vector.broadcast %mul3A_29 : f32 to vector<16xf32>
      %mul3A_31 = arith.mulf %scan3A_27, %mul3A_30 : vector<16xf32>
      %neg3A = arith.constant 0.000000e+00 : f32
      %neg3A_32 = vector.broadcast %neg3A : f32 to vector<16xf32>
      %neg3A_33 = arith.subf %neg3A_32, %mul3A_31 : vector<16xf32>
      %exp3A = math.exp %neg3A_33 : vector<16xf32>
      %add3A_34 = arith.constant 1.000000e+00 : f32
      %add3A_35 = vector.broadcast %add3A_34 : f32 to vector<16xf32>
      %add3A_36 = arith.addf %add3A_35, %exp3A : vector<16xf32>
      %div3A = arith.constant 1.000000e+00 : f32
      %div3A_37 = vector.broadcast %div3A : f32 to vector<16xf32>
      %div3A_38 = arith.divf %div3A_37, %add3A_36 : vector<16xf32>
      %mul3A_39 = arith.constant 16 : i32
      %mul3A_40 = arith.muli %scan3A_16, %mul3A_39 : i32
      %swap3A = arith.index_cast %mul3A_40 : i32 to index
      %swap3A_41 = tpu.vector_load %arg7[%swap3A] {strides = array<i32>} : memref<128xf32, #tpu.memory_space<vmem>>, vector<16xf32>,
      tpu.vector_store %arg7[%swap3A], %div3A_38 {strides = array<i32>} : memref<128xf32, #tpu.memory_space<vmem>>, vector<16xf32>,
      %scan3A_42 = arith.constant 0 : i32
      scf.yield %scan3A_42 : i32
    }
    %scan3A_15 = arith.constant 8 : i32
    "tpu.region"() ({
      %run_scoped3A = tpu.sem_alloc : memref<!tpu.dma_semaphore, #tpu.memory_space<semaphore_mem>>
      %dma_start3A_16 = tpu.memref_slice %arg4[%mul3A_2] : memref<4096xf32, #tpu.memory_space<hbm>> -> memref<128xf32, #tpu.memory_space<hbm>>
      %dma_start3A_17 = tpu.memref_slice %arg4[%mul3A_2] : memref<4096xf32, #tpu.memory_space<hbm>> -> memref<128xf32, #tpu.memory_space<hbm>>
      tpu.enqueue_dma source(%arg7 : memref<128xf32, #tpu.memory_space<vmem>>) target(%dma_start3A_17 : memref<128xf32, #tpu.memory_space<hbm>>) target_semaphore(%run_scoped3A : memref<!tpu.dma_semaphore, #tpu.memory_space<semaphore_mem>>)
      %dma_wait3A_18 = tpu.memref_slice %arg4[%mul3A_2] : memref<4096xf32, #tpu.memory_space<hbm>> -> memref<128xf32, #tpu.memory_space<hbm>>
      %dma_wait3A_19 = tpu.memref_slice %arg4[%mul3A_2] : memref<4096xf32, #tpu.memory_space<hbm>> -> memref<128xf32, #tpu.memory_space<hbm>>
      tpu.wait_dma2 semaphore(%run_scoped3A : memref<!tpu.dma_semaphore, #tpu.memory_space<semaphore_mem>>) src(%arg7 : memref<128xf32, #tpu.memory_space<vmem>>) dst(%dma_wait3A_19 : memref<128xf32, #tpu.memory_space<hbm>>)
      tpu.yield
    }) : () -> ()
    return
  }
}

module attributes {stable_mosaic.version = 14 : i64} {
  func.func @_matvec_body(%arg0: i32, %arg1: memref<3072x768xf32, #tpu.memory_space<vmem>>, %arg2: memref<768x1xf32, #tpu.memory_space<vmem>>, %arg3: memref<1xf32, #tpu.memory_space<smem>>, %arg4: memref<1x3072xf32, #tpu.memory_space<vmem>>) attributes {dimension_semantics = [#tpu.dimension_semantics<arbitrary>], iteration_bounds = array<i64: 10>, scalar_prefetch = 0 : i64, scratch_operands = 0 : i64, tpu.core_type = #tpu.core_type<tc>, window_params = [{transform_indices = @transform_0, window_bounds = array<i64: 3072, 768>}, {pipeline_mode = #tpu.pipeline_mode<synchronous>, transform_indices = @transform_1, window_bounds = array<i64: 768, 1>}, {transform_indices = @transform_2, window_bounds = array<i64: 1>}, {transform_indices = @transform_3, window_bounds = array<i64: 1, 3072>}]} {
    %get3A = arith.constant 0 : index
    %get3A_0 = arith.constant 0 : index
    %get3A_1 = vector.load %arg2[%get3A, %get3A_0] : memref<768x1xf32, #tpu.memory_space<vmem>>, vector<768x1xf32>
    %reshape3A = vector.shape_cast %get3A_1 : vector<768x1xf32> to vector<1x768xf32>
    %get3A_2 = arith.constant 0 : index
    %get3A_3 = arith.constant 0 : index
    %get3A_4 = vector.load %arg1[%get3A_2, %get3A_3] : memref<3072x768xf32, #tpu.memory_space<vmem>>, vector<3072x768xf32>
    %dot_general3A = arith.constant dense<0.000000e+00> : vector<1x3072xf32>
    %dot_general3A_5 = tpu.matmul %reshape3A, %get3A_4, %dot_general3A {dimension_numbers = #tpu.dot_dimension_numbers<[1], [1], [0], [0], [0, 0, 1, 0], [], []>, transpose_lhs_hint = false} : vector<1x768xf32>, vector<3072x768xf32>, vector<1x3072xf32> -> vector<1x3072xf32>
    %get3A_6 = arith.constant 0 : index
    %get3A_7 = memref.load %arg3[%get3A_6] : memref<1xf32, #tpu.memory_space<smem>>
    %add3A = vector.broadcast %get3A_7 : f32 to vector<1x3072xf32>
    %add3A_8 = arith.addf %dot_general3A_5, %add3A : vector<1x3072xf32>
    %swap3A = arith.constant 0 : index
    %swap3A_9 = arith.constant 0 : index
    %swap3A_10 = vector.load %arg4[%swap3A, %swap3A_9] : memref<1x3072xf32, #tpu.memory_space<vmem>>, vector<1x3072xf32>
    tpu.vector_store %arg4[%swap3A, %swap3A_9], %add3A_8 {strides = array<i32>} : memref<1x3072xf32, #tpu.memory_space<vmem>>, vector<1x3072xf32>,
    return
  }
  func.func @transform_0(%arg0: i32) -> (i32, i32) {
    %c0_i32 = arith.constant 0 : i32
    %c0_i32_0 = arith.constant 0 : i32
    return %arg0, %c0_i32 : i32, i32
  }
  func.func @transform_1(%arg0: i32) -> (i32, i32) {
    %c0_i32 = arith.constant 0 : i32
    %c0_i32_0 = arith.constant 0 : i32
    %c0_i32_1 = arith.constant 0 : i32
    return %c0_i32, %c0_i32_0 : i32, i32
  }
  func.func @transform_2(%arg0: i32) -> i32 {
    %c0_i32 = arith.constant 0 : i32
    %c0_i32_0 = arith.constant 0 : i32
    return %c0_i32 : i32
  }
  func.func @transform_3(%arg0: i32) -> (i32, i32) {
    %c0_i32 = arith.constant 0 : i32
    %c0_i32_0 = arith.constant 0 : i32
    return %c0_i32, %arg0 : i32, i32
  }
}

</mosaic_0001>

<sc_bundles>
// kernel: kernel.4.cloned.1.call-start
scs
__scs_entry_jumppad:
0x0: {  	(pc) =	sbr.rel $0x88, $3  }
0x1: {  	(tag) =	ssettag $0x0;
	lr =	simm.s32 $0x1  }
0x2: {  	[smem:$0x3F9D] =	sst lr;
	_ =	strace $0xD0000000  }
0x3: {  	_ = 	snop  }
0x4: {  	_ = 	snop  }
0x5: {  	_ = 	snop  }
0x6: {  	_ = 	snop  }
0x7: {  	_ = 	snop  }
__scs_overlays_trampoline_lowered:
0x8: {  	[smem:$0x3FAC] =	sst s0  }
0x9: {  	[smem:$0x3FAD] =	sst s1  }
0xa: {  	[smem:$0x3FAE] =	sst s2  }
0xb: {  	[smem:$0x3FAF] =	sst s3  }
0xc: {  	[smem:$0x3FB0] =	sst s4  }
0xd: {  	[smem:$0x3FB1] =	sst s5  }
0xe: {  	[smem:$0x3FB2] =	sst s6  }
0xf: {  	[smem:$0x3FB3] =	sst s7  }
0x10: {  	[smem:$0x3FB4] =	sst s8  }
0x11: {  	[smem:$0x3FB5] =	sst s9;
	s0 =	simm.s32 @!p0 $0x0  }
0x12: {  	s1 =	sld [smem:$0x3F9B];
	s0 =	simm.s32 @p0 $0x1  }
0x13: {  	[smem:$0x3FB6] =	sst s0;
	s0 =	simm.s32 @!p1 $0x0  }
0x14: {  	s2 =	sld [smem:$0x3F9A];
	s0 =	simm.s32 @p1 $0x1  }
0x15: {  	[smem:$0x3FB7] =	sst s0;
	s0 =	simm.s32 @!p2 $0x0  }
0x16: {  	s3 =	sld [smem:$0x3FDB];
	s0 =	simm.s32 @p2 $0x1  }
0x17: {  	s4 =	simm.s32 $0x1BF5;
	[smem:$0x3FB9] =	sst s0  }
0x18: {  	s0 =	sld [smem:$0x3F9C];
	_ =	swait.ge [sflag:s4], $0x0  }
0x19: {  	s7 =	sld [smem:$0x3F9D]  }
0x1a: {  	s8 =	sadd.s32 $0xFFFFE003, lr  }
0x1b: {  	s9 =	sadd.s32 $0xFFFFFEF7, lr;
	s5 =	simm.s32 $0xFFFFFFFF;
	p2 =	slt.u32 s8, $0xFFFFF086  }
0x1c: {  	p1 =	slt.u32 s9, $0xF7A;
	s5 =	simm.s32 @!p2 $0x0  }
0x1d: {  	s5 =	simm.s32 @p1 $0x1;
	p0 =	seq.s32 s7, s2  }
0x1e: {  	s7 =	smul.u32 @!p0 $0xF7A, s2;
	p2 =	seq.s32 @!p0 s5, $0x0  }
0x1f: {  	s9 =	smul.u32 $0xF7A, s1;
	s8 =	simm.s32 @!p0 $0x1BF5;
	p2 =	por !p2, p0  }
0x20: {  	[sflag:s8] =	ssyncset.s32 @!p0 $0xFFFFF086;
	s6 =	sadd.s32 @!p0 s3, s7;
	s7 =	simm.s32 @!p0 $0x108  }
0x21: {  	s3 =	sadd.s32 s3, s9;
	s6 =	sadd.s32 @!p0 $0x88, s6;
	s7 =	simm.s32 @p2 $0x1082  }
0x22: {  	[simem:s7], [sflag:s8] =	dma.local @!p0 [hbm:s6], $0xF7A  }
0x23: {  	s9 =	sor.u32 $0xD0000000, s2;
	s6 =	simm.s32 $0x108;
	_ =	swait.ge @!p0 [sflag:s8], $0x0  }
0x24: {  	s3 =	sadd.s32 $0x88, s3;
	s6 =	simm.s32 @!p1 $0x1082;
	[sflag:s4] =	ssyncset.s32 $0xFFFFF086  }
0x25: {  	[simem:s6], [sflag:s4] =	dma.local [hbm:s3], $0xF7A  }
0x26: {  	[smem:$0x3F9D] =	sst s1;
	(tag) =	ssettag s2;
	_ =	strace s9  }
0x27: {  	s1 =	sld [smem:$0x3FAD]  }
0x28: {  	s2 =	sld [smem:$0x3FAE]  }
0x29: {  	s4 =	sld [smem:$0x3FB0]  }
0x2a: {  	p0 =	seq.s32 s5, $0x0;
	s5 =	sld [smem:$0x3FB1]  }
0x2b: {  	s6 =	sld [smem:$0x3FB2]  }
0x2c: {  	s7 =	sld [smem:$0x3FB3]  }
0x2d: {  	s3 =	simm.s32 $0x108;
	s8 =	sld [smem:$0x3FB4]  }
0x2e: {  	s3 =	simm.s32 @!p0 $0x1082;
	s9 =	sld [smem:$0x3FB5]  }
0x2f: {  	lr =	sadd.s32 s0, s3;
	s0 =	sld [smem:$0x3FAC]  }
0x30: {  	s3 =	sld [smem:$0x3FAF]  }
0x31: {  	[smem:$0x3FB8] =	sst s10  }
0x32: {  	s10 =	sld [smem:$0x3FB6];
	_ =	sdelay $0x3  }
0x33: {  	p0 =	seq.s32 s10, $0x1;
	s10 =	sld [smem:$0x3FB8];
	_ =	sdelay $0x3  }
0x34: {  	[smem:$0x3FB8] =	sst s10  }
0x35: {  	s10 =	sld [smem:$0x3FB7];
	_ =	sdelay $0x3  }
0x36: {  	p1 =	seq.s32 s10, $0x1;
	s10 =	sld [smem:$0x3FB8];
	_ =	sdelay $0x3  }
0x37: {  	[smem:$0x3FB8] =	sst s10  }
0x38: {  	s10 =	sld [smem:$0x3FB9]  }
0x39: {  	_ = 	snop;
	(pc) =	sbr.ind lr, $3  }
0x3a: {  	_ = 	snop  }
0x3b: {  	_ = 	snop  }
0x3c: {  	p2 =	seq.s32 s10, $0x1;
	s10 =	sld [smem:$0x3FB8]  }
0x3d: {  	_ =	shalt  }
0x3e: {  	_ =	shalt  }
0x3f: {  	_ =	shalt  }
0x40: {  	_ =	shalt  }
0x41: {  	_ =	shalt  }
0x42: {  	_ =	shalt  }
0x43: {  	_ =	shalt  }
0x44: {  	_ =	shalt  }
0x45: {  	_ =	shalt  }
0x46: {  	_ =	shalt  }
0x47: {  	_ =	shalt  }
0x48: {  	_ =	shalt  }
0x49: {  	_ =	shalt  }
0x4a: {  	_ =	shalt  }
0x4b: {  	_ =	shalt  }
0x4c: {  	_ =	shalt  }
0x4d: {  	_ =	shalt  }
0x4e: {  	_ =	shalt  }
0x4f: {  	_ =	shalt  }
0x50: {  	_ =	shalt  }
0x51: {  	_ =	shalt  }
0x52: {  	_ =	shalt  }
0x53: {  	_ =	shalt  }
0x54: {  	_ =	shalt  }
0x55: {  	_ =	shalt  }
0x56: {  	_ =	shalt  }
0x57: {  	_ =	shalt  }
0x58: {  	_ =	shalt  }
0x59: {  	_ =	shalt  }
0x5a: {  	_ =	shalt  }
0x5b: {  	_ =	shalt  }
0x5c: {  	_ =	shalt  }
0x5d: {  	_ =	shalt  }
0x5e: {  	_ =	shalt  }
0x5f: {  	_ =	shalt  }
0x60: {  	_ =	shalt  }
0x61: {  	_ =	shalt  }
0x62: {  	_ =	shalt  }
0x63: {  	_ =	shalt  }
0x64: {  	_ =	shalt  }
0x65: {  	_ =	shalt  }
0x66: {  	_ =	shalt  }
0x67: {  	_ =	shalt  }
0x68: {  	_ =	shalt  }
0x69: {  	_ =	shalt  }
0x6a: {  	_ =	shalt  }
0x6b: {  	_ =	shalt  }
0x6c: {  	_ =	shalt  }
0x6d: {  	_ =	shalt  }
0x6e: {  	_ =	shalt  }
0x6f: {  	_ =	shalt  }
0x70: {  	_ =	shalt  }
0x71: {  	_ =	shalt  }
0x72: {  	_ =	shalt  }
0x73: {  	_ =	shalt  }
0x74: {  	_ =	shalt  }
0x75: {  	_ =	shalt  }
0x76: {  	_ =	shalt  }
0x77: {  	_ =	shalt  }
0x78: {  	_ =	shalt  }
0x79: {  	_ =	shalt  }
0x7a: {  	_ =	shalt  }
0x7b: {  	_ =	shalt  }
0x7c: {  	_ =	shalt  }
0x7d: {  	_ =	shalt  }
0x7e: {  	_ =	shalt  }
0x7f: {  	_ =	shalt  }
0x80: {  	_ =	shalt  }
0x81: {  	_ =	shalt  }
0x82: {  	_ =	shalt  }
0x83: {  	_ =	shalt  }
0x84: {  	_ =	shalt  }
0x85: {  	_ =	shalt  }
0x86: {  	_ =	shalt  }
0x87: {  	_ =	shalt  }
.Lfunc_end0:
.L_simem_size_0:
called_computation_lowered:
.L_overlay_start_0:
0x88: {  	s2 =	sld [smem:$0x3FD9]  }
0x89: {  	s3 =	sld [smem:$0x3FFE];
	_ =	sdelay $0x1  }
0x8a: {  	s1 =	srdreg.scid  }
0x8b: {  	s0 =	sand.u32 $0x1, s1  }
0x8c: {  	s17 =	sshll.u32 s0, $0xA;
	s2 =	sadd.s32 s3, s2  }
0x8d: {  	s2 =	sadd.s32 s2, s17  }
0x8e: {  	[smem:$0x3FC4] =	sst s2  }
0x8f: {  	_ = 	snop  }
0x90: {  	s2 =	sld [smem:$0x3FD0];
	(tm) =	ssettm $0x1  }
0x91: {  	s18 =	sld [smem:$0x3FFB];
	_ =	sdelay $0x3  }
0x92: {  	_ =	strace s18  }
0x93: {  	s3 =	sld [smem:$0x3FFC];
	_ =	sdelay $0x3  }
0x94: {  	_ =	strace s3  }
0x95: {  	s3 =	sld [smem:$0x3FFD];
	_ =	sdelay $0x3  }
0x96: {  	_ =	strace s3  }
0x97: {  	_ =	strace $0x8FFFFFFF  }
0x98: {  	s19 =	sld [smem:$0x3FDB];
	_ =	sdelay $0x1  }
0x99: {  	s4 =	simm.s32 $_scs_section_size  }
0x9a: {  	s5 =	simm.s32 $_size__tile_overlayer_lowered;
	s6 =	simm.s32 $_tile_overlayer_lowered  }
0x9b: {  	s22 =	simm.s32 $0x1BFF;
	s21 =	sshll.u32 s6, $0x1;
	s3 =	sadd.s32 s4, s19  }
0x9c: {  	s7 =	simm.s32 $0x0;
	s20 =	sshll.u32 s5, $0x1;
	s5 =	sadd.s32 s21, s3  }
0x9d: {  	[timem:s7], [sflag:s22] =	dma.local [hbm:s5], s20  }
0x9e: {  	_ =	swait.ge [sflag:s22], s20  }
0x9f: {  	s4 =	ssub.s32 $0x0, s20;
	[sflag:s22] =	ssyncset.done $0x0  }
0xa0: {  	[sflag:s22] =	ssyncadd.s32 s4;
	_ =	sdelay $0x1  }
0xa1: {  	s23 =	simm.s32 $0x1B8B  }
0xa2: {  	_ =	swait.ge [sflag:s23], $0x1  }
0xa3: {  	[sflag:s23] =	ssyncset.done $0x0  }
0xa4: {  	s25 =	simm.s32 $0x1B8E;
	s24 =	sld [smem:$0x3FFE];
	[sflag:s23] =	ssyncadd.s32 $0xFFFFFFFF  }
0xa5: {  	s26 =	simm.s32 $execute0_lowered;
	[smem:$0x3FD2] =	sst s25  }
0xa6: {  	s5 =	sshll.u32 s26, $0x1;
	_ =	strace $0x80000046;
	[dreg:$0x1] =	wrdreg $0xFFFFFFFF  }
0xa7: {  	s28 =	simm.s32 $_size_execute0_lowered;
	s3 =	sadd.s32 s3, s5;
	[dreg:$0x0] =	wrdreg $0x0  }
0xa8: {  	s5 =	sshll.u32 s28, $0x1;
	[dreg:$0x2] =	wrdreg s3  }
0xa9: {  	[dreg:$0x3] =	wrdreg s5  }
0xaa: {  	[dreg:$0x4] =	wrdreg $0xC0  }
0xab: {  	_ =	task [dreg:s7], $0x5FFFF  }
0xac: {  	[dreg:$0x1] =	wrdreg $0xFFFFFFFF  }
0xad: {  	[dreg:$0x0] =	wrdreg $0x60  }
0xae: {  	[dreg:$0x2] =	wrdreg s24  }
0xaf: {  	[dreg:$0x3] =	wrdreg s2  }
0xb0: {  	[dreg:$0x4] =	wrdreg $0x9  }
0xb1: {  	_ =	task.clear_ibuf [dreg:s7], $0x5FFFF;
	_ =	strace $0x90000046  }
0xb2: {  	s29 =	simm.s32 $0x9;
	_ =	strace $0x80000048  }
0xb3: {  	_ =	swait.ge [sflag:s29], $0x1  }
0xb4: {  	[sflag:s29] =	ssyncadd.s32 $0xFFFFFFFF  }
0xb5: {  	_ =	strace $0x90000048  }
0xb6: {  	_ =	sfence  }
0xb7: {  	s30 =	sld [smem:$0x0];
	_ =	sdelay $0x2  }
0xb8: {  	s31 =	sshll.u32 s1, $0xD;
	s1 =	sshrl.u32 s1, $0x2  }
0xb9: {  	s3 =	sand.u32 $0x4000, s31;
	s1 =	sadd.s32 s1, s30  }
0xba: {  	s0 =	sor.u32 s3, s0;
	s1 =	sshll.u32 s1, $0x11  }
0xbb: {  	s0 =	sor.u32 s1, s0  }
0xbc: {  	s0 =	sadd.s32 $0x8F2B, s0  }
0xbd: {  	[sflag:s0] =	ssyncadd.remote.s32 $0x1  }
0xbe: {  	_ =	sfence.sel $0xFFFF  }
0xbf: {  	[dreg:$0x0] =	wrdreg $0xFFFFFFFF;
	(pc) =	sbr.abs _section_cstart, $3  }
0xc0: {  	[dreg:$0x1] =	wrdreg $0xFFFFFFFF  }
0xc1: {  	_ =	task.clear_ibuf [dreg:s7], $0x2FFFF;
	_ =	strace $0x9FFFFFFF  }
0xc2: {  	(tm) =	ssettm $0x7FFFFFFF  }
0xc3: {  	_ =	shalt  }
tec
execute0_lowered:
.L_overlay_start_1:
0x0: {  	(tag) =	ssettag $0x1  }
0x1: {  	s4 =	rddreg [dreg:$0x0]  }
0x2: {  	s1 =	srdreg.scid;
	s0 =	stileid.u32  }
0x3: {  	s5 =	rddreg [dreg:$0x1];
	s2 =	simm.s32 $0x0;
	s10 =	simm.s32 $0xDC00  }
0x4: {  	s11 =	simm.s32 $0x3;
	s3 =	sand.u32 $0x1, s1;
	s1 =	rddreg [dreg:$0x2]  }
0x5: {  	s12 =	simm.s32 $0x0;
	s6 =	sshll.u32 s0, $0x1;
	[smem:$0x7FF] =	sst s2  }
0x6: {  	s6 =	sor.u32 s3, s6;
	s8 =	ssub.s32 $0x2, s3;
	_ =	strace $0x80000047  }
0x7: {  	s7 =	smul.u32 $0xC80, s6;
	s9 =	sshrl.u32 s8, $0x1;
	s6 =	sshll.u32 s6, $0x4  }
0x8: {  	s3 =	sadd.s32 $0x19800, s4;
	s31 =	ssub.s32 s8, s9;
	s5 =	sadd.s32 s5, s6  }
0x9: {  	v0 =	vlaneseq.u32;
	s8 =	simm.s32 $0x1;
	s9 =	simm.s32 $0x2;
	s4 =	sadd.s32 s7, s4  }
0xa: {  	v0 =	vmul.u32 $0xC8, v0;
	s6 =	smax.u32 s31, $0x1;
	s7 =	simm.s32 $0x7800;
	s4 =	sadd.s32 $0x800, s4  }
.LBB2_1:
0xb: {  	[tilespmem:s2], [sflag:$0x1] =	stream.linear.gather [hbm4b:s3+s2], $0x7800, $0x38;
	[tilespmem:$0xDC80] =	vst v63  }
0xc: {  	_ = 	snop  }
0xd: {  	[tilespmem:s7], [sflag:$0x2] =	stream.linear.gather [hbm4b:s4+s2], $0x6400, $0x38;
	[tilespmem:$0xDC80] =	vst v63  }
0xe: {  	_ =	swait.ge [sflag:s8], $0x7800  }
0xf: {  	[sflag:s8] =	ssyncset.done $0x0  }
0x10: {  	[sflag:s8] =	ssyncadd.s32 $0xFFFF8800  }
0x11: {  	_ =	swait.ge [sflag:s9], $0x6400  }
0x12: {  	[sflag:s9] =	ssyncset.done $0x0  }
0x13: {  	s13 =	simm.s32 $0x0;
	[sflag:s9] =	ssyncadd.s32 $0xFFFF9C00  }
.LBB2_2:
0x14: {  	s14 =	smul.u32 $0xC80, s13;
	_ =	sdelay $0x1  }
0x15: {  	s16 =	simm.s32 $0x0;
	v1 =	vadd.s32 s14, v0  }
0x16: {  	v2 =	vadd.s32 s16, v1  }
0x17: {  	s17 =	simm.s32 $0x1  }
0x18: {  	v3 =	vadd.s32 s17, v1  }
0x19: {  	s18 =	simm.s32 $0x2  }
0x1a: {  	s19 =	simm.s32 $0x3;
	v4 =	vadd.s32 s18, v1  }
0x1b: {  	s20 =	simm.s32 $0x4;
	v5 =	vadd.s32 s19, v1;
	v2 =	vld.idx.msk [tilespmem:v2+s7+$0x0], $0xffff  }
0x1c: {  	s21 =	simm.s32 $0x5;
	v6 =	vadd.s32 s20, v1  }
0x1d: {  	v7 =	vadd.s32 s21, v1;
	v3 =	vld.idx.msk [tilespmem:v3+s7+$0x0], $0xffff  }
0x1e: {  	s22 =	simm.s32 $0x6  }
0x1f: {  	v8 =	vadd.s32 s22, v1;
	v4 =	vld.idx.msk [tilespmem:v4+s7+$0x0], $0xffff  }
0x20: {  	s23 =	simm.s32 $0x7;
	v5 =	vld.idx.msk [tilespmem:v5+s7+$0x0], $0xffff  }
0x21: {  	v9 =	vadd.s32 s23, v1;
	v6 =	vld.idx.msk [tilespmem:v6+s7+$0x0], $0xffff  }
0x22: {  	s25 =	simm.s32 $0x9;
	v7 =	vld.idx.msk [tilespmem:v7+s7+$0x0], $0xffff  }
0x23: {  	v11 =	vadd.s32 s25, v1;
	v2 =	vld.idx.msk [tilespmem:v2+s2+$0x0], $0xffff  }
0x24: {  	s24 =	simm.s32 $0x8;
	v8 =	vld.idx.msk [tilespmem:v8+s7+$0x0], $0xffff  }
0x25: {  	v10 =	vadd.s32 s24, v1;
	v3 =	vld.idx.msk [tilespmem:v3+s2+$0x0], $0xffff  }
0x26: {  	v9 =	vld.idx.msk [tilespmem:v9+s7+$0x0], $0xffff  }
0x27: {  	s26 =	simm.s32 $0xA;
	v12 =	vimm.f32 $0.0e+00;
	v4 =	vld.idx.msk [tilespmem:v4+s2+$0x0], $0xffff  }
0x28: {  	v13 =	vadd.s32 s26, v1;
	v11 =	vld.idx.msk [tilespmem:v11+s7+$0x0], $0xffff;
	v2 =	vadd.f32 v2, v12  }
0x29: {  	v14 =	vld.idx.msk [tilespmem:v5+s2+$0x0], $0xffff  }
0x2a: {  	s28 =	simm.s32 $0xB;
	v10 =	vld.idx.msk [tilespmem:v10+s7+$0x0], $0xffff;
	v2 =	vadd.f32 v3, v2  }
0x2b: {  	v6 =	vld.idx.msk [tilespmem:v6+s2+$0x0], $0xffff;
	v12 =	vadd.s32 s28, v1  }
0x2c: {  	s29 =	simm.s32 $0xC;
	v16 =	vld.idx.msk [tilespmem:v7+s2+$0x0], $0xffff;
	v2 =	vadd.f32 v4, v2  }
0x2d: {  	v15 =	vadd.s32 s29, v1;
	v5 =	vld.idx.msk [tilespmem:v13+s7+$0x0], $0xffff  }
0x2e: {  	s30 =	simm.s32 $0xD;
	v17 =	vld.idx.msk [tilespmem:v8+s2+$0x0], $0xffff;
	v2 =	vadd.f32 v14, v2  }
0x2f: {  	s31 =	simm.s32 $0xE;
	v13 =	vadd.s32 s30, v1;
	v9 =	vld.idx.msk [tilespmem:v9+s2+$0x0], $0xffff  }
0x30: {  	v3 =	vld.idx.msk [tilespmem:v12+s7+$0x0], $0xffff;
	v14 =	vadd.s32 s31, v1;
	v2 =	vadd.f32 v6, v2  }
0x31: {  	s15 =	simm.s32 $0xF;
	v8 =	vld.idx.msk [tilespmem:v11+s2+$0x0], $0xffff  }
0x32: {  	v11 =	vadd.s32 s15, v1;
	v4 =	vld.idx.msk [tilespmem:v15+s7+$0x0], $0xffff;
	v6 =	vadd.f32 v16, v2  }
0x33: {  	s14 =	simm.s32 $0x10;
	v7 =	vld.idx.msk [tilespmem:v10+s2+$0x0], $0xffff  }
0x34: {  	v10 =	vadd.s32 s14, v1;
	v2 =	vld.idx.msk [tilespmem:v13+s7+$0x0], $0xffff;
	v12 =	vadd.f32 v17, v6  }
0x35: {  	s16 =	simm.s32 $0x11;
	s15 =	simm.s32 $0x18;
	v6 =	vld.idx.msk [tilespmem:v14+s7+$0x0], $0xffff  }
.LBB2_3:
0x36: {  	p0 =	slt.u32 s15, $0xC0;
	v13 =	vadd.s32 s16, v1;
	v5 =	vld.idx.msk [tilespmem:v5+s2+$0x0], $0xffff;
	v9 =	vadd.f32 v9, v12  }
0x37: {  	s16 =	sadd.s32 $0x2, s14;
	v11 =	vld.idx.msk [tilespmem:v11+s7+$0x0], $0xffff  }
0x38: {  	v12 =	vadd.s32 s16, v1;
	v7 =	vadd.f32 v7, v9;
	v3 =	vld.idx.msk [tilespmem:v3+s2+$0x0], $0xffff  }
0x39: {  	s16 =	sadd.s32 $0x3, s14;
	v10 =	vld.idx.msk [tilespmem:v10+s7+$0x0], $0xffff  }
0x3a: {  	v9 =	vadd.s32 s16, v1;
	v7 =	vadd.f32 v8, v7;
	v4 =	vld.idx.msk [tilespmem:v4+s2+$0x0], $0xffff  }
0x3b: {  	s16 =	sadd.s32 $0x4, s14;
	v8 =	vld.idx.msk [tilespmem:v13+s7+$0x0], $0xffff  }
0x3c: {  	v13 =	vadd.s32 s16, v1;
	v7 =	vadd.f32 v5, v7;
	v2 =	vld.idx.msk [tilespmem:v2+s2+$0x0], $0xffff  }
0x3d: {  	s16 =	sadd.s32 $0x5, s14;
	v5 =	vld.idx.msk [tilespmem:v12+s7+$0x0], $0xffff  }
0x3e: {  	v12 =	vadd.s32 s16, v1;
	v7 =	vadd.f32 v3, v7;
	v6 =	vld.idx.msk [tilespmem:v6+s2+$0x0], $0xffff  }
0x3f: {  	s16 =	sadd.s32 $0x6, s14;
	v3 =	vld.idx.msk [tilespmem:v9+s7+$0x0], $0xffff  }
0x40: {  	v14 =	vadd.s32 s16, v1;
	v15 =	vadd.f32 v4, v7;
	v9 =	vld.idx.msk [tilespmem:v11+s2+$0x0], $0xffff  }
.Ltmp0:
0x41: {  	s16 =	sadd.s32 $0x7, s14;
	s14 =	smov.u32 s15;
	v4 =	vld.idx.msk [tilespmem:v13+s7+$0x0], $0xffff;
	(pc) =	sbr.rel @p0 .LBB2_3-.Ltmp0, $4  }
0x42: {  	v11 =	vadd.s32 s16, v1;
	v7 =	vld.idx.msk [tilespmem:v10+s2+$0x0], $0xffff;
	v13 =	vadd.f32 v2, v15  }
0x43: {  	v2 =	vld.idx.msk [tilespmem:v12+s7+$0x0], $0xffff  }
0x44: {  	v10 =	vadd.s32 s15, v1;
	v8 =	vld.idx.msk [tilespmem:v8+s2+$0x0], $0xffff;
	v12 =	vadd.f32 v6, v13  }
0x45: {  	s16 =	sadd.s32 $0x1, s14;
	s15 =	sadd.s32 $0x8, s15;
	v6 =	vld.idx.msk [tilespmem:v14+s7+$0x0], $0xffff  }
0x46: {  	_ =	sdelay $0x2  }
0x47: {  	v9 =	vadd.f32 v9, v12  }
0x48: {  	v5 =	vld.idx.msk [tilespmem:v5+s2+$0x0], $0xffff  }
0x49: {  	v56 =	vadd.s32 s16, v1;
	v11 =	vld.idx.msk [tilespmem:v11+s7+$0x0], $0xffff;
	v7 =	vadd.f32 v7, v9  }
0x4a: {  	s15 =	sadd.s32 $0x2, s14;
	v3 =	vld.idx.msk [tilespmem:v3+s2+$0x0], $0xffff  }
0x4b: {  	v10 =	vld.idx.msk [tilespmem:v10+s7+$0x0], $0xffff;
	s25 =	sadd.s32 $0x3, s14;
	v57 =	vadd.s32 s15, v1;
	v7 =	vadd.f32 v8, v7  }
0x4c: {  	v4 =	vld.idx.msk [tilespmem:v4+s2+$0x0], $0xffff;
	v58 =	vadd.s32 s25, v1  }
0x4d: {  	s26 =	sadd.s32 $0x4, s14;
	v2 =	vld.idx.msk [tilespmem:v2+s2+$0x0], $0xffff;
	v5 =	vadd.f32 v5, v7  }
0x4e: {  	v59 =	vadd.s32 s26, v1;
	v12 =	vld.idx.msk [tilespmem:v56+s7+$0x0], $0xffff  }
0x4f: {  	s28 =	sadd.s32 $0x5, s14;
	v6 =	vld.idx.msk [tilespmem:v6+s2+$0x0], $0xffff;
	v3 =	vadd.f32 v3, v5  }
0x50: {  	v60 =	vadd.s32 s28, v1;
	v9 =	vld.idx.msk [tilespmem:v57+s7+$0x0], $0xffff  }
0x51: {  	s29 =	sadd.s32 $0x6, s14;
	v8 =	vld.idx.msk [tilespmem:v58+s7+$0x0], $0xffff;
	v3 =	vadd.f32 v4, v3  }
0x52: {  	v61 =	vadd.s32 s29, v1;
	v11 =	vld.idx.msk [tilespmem:v11+s2+$0x0], $0xffff  }
0x53: {  	s30 =	sadd.s32 $0x7, s14;
	v7 =	vld.idx.msk [tilespmem:v59+s7+$0x0], $0xffff;
	v2 =	vadd.f32 v2, v3  }
0x54: {  	v1 =	vadd.s32 s30, v1;
	v3 =	vld.idx.msk [tilespmem:v10+s2+$0x0], $0xffff  }
0x55: {  	v5 =	vld.idx.msk [tilespmem:v60+s7+$0x0], $0xffff;
	v2 =	vadd.f32 v6, v2  }
0x56: {  	v62 =	vld.idx.msk [tilespmem:v12+s2+$0x0], $0xffff  }
0x57: {  	v4 =	vld.idx.msk [tilespmem:v61+s7+$0x0], $0xffff;
	v2 =	vadd.f32 v11, v2  }
0x58: {  	v9 =	vld.idx.msk [tilespmem:v9+s2+$0x0], $0xffff  }
0x59: {  	v1 =	vld.idx.msk [tilespmem:v1+s7+$0x0], $0xffff;
	v2 =	vadd.f32 v3, v2  }
0x5a: {  	v3 =	vld.idx.msk [tilespmem:v8+s2+$0x0], $0xffff  }
0x5b: {  	v2 =	vadd.f32 v62, v2  }
0x5c: {  	v63 =	vld.idx.msk [tilespmem:v7+s2+$0x0], $0xffff  }
0x5d: {  	v2 =	vadd.f32 v9, v2  }
0x5e: {  	v5 =	vld.idx.msk [tilespmem:v5+s2+$0x0], $0xffff  }
0x5f: {  	v2 =	vadd.f32 v3, v2  }
0x60: {  	v3 =	vld.idx.msk [tilespmem:v4+s2+$0x0], $0xffff  }
0x61: {  	v2 =	vadd.f32 v63, v2  }
0x62: {  	v1 =	vld.idx.msk [tilespmem:v1+s2+$0x0], $0xffff  }
0x63: {  	v2 =	vadd.f32 v5, v2;
	_ =	sdelay $0x1  }
0x64: {  	v2 =	vadd.f32 v3, v2;
	_ =	sdelay $0x1  }
0x65: {  	v1 =	vadd.f32 v1, v2;
	_ =	sdelay $0x1  }
0x66: {  	v1 =	vmul.f32 $-4.999999890e-03, v1;
	_ =	sdelay $0x1  }
0x67: {  	v1 =	vadd.f32 $0.0e+00, v1;
	_ =	sdelay $0x1  }
0x68: {  	v1 =	vmul.f32 $1.442695020e+00, v1;
	_ =	sdelay $0x1  }
0x69: {  	(erf) = vpow2.f32 v1;
	_ =	sdelay $0x8  }
0x6a: {  	v1 =	vpop (erf)  }
0x6b: {  	v1 =	vadd.f32 $1.000000000e+00, v1;
	_ =	sdelay $0x1  }
0x6c: {  	(erf) = vrcp.f32 v1;
	_ =	sdelay $0x3  }
0x6d: {  	s31 =	sshll.u32 s13, $0x4;
	s13 =	sadd.s32 $0x1, s13  }
0x6e: {  	p0 =	sne.s32 s13, $0x8  }
.Ltmp1:
0x6f: {  	_ = 	snop;
	(pc) =	sbr.rel @p0 .LBB2_2-.Ltmp1, $3  }
0x70: {  	_ =	sdelay $0x1  }
0x71: {  	s14 =	sand.u32 $0x3FFFFFF0, s31;
	v1 =	vpop (erf)  }
0x72: {  	[tilespmem:s14+$0xDC00] =	vst v1  }
0x73: {  	s12 =	sadd.s32 $0x1, s12  }
0x74: {  	p0 =	sne.s32 s12, s6  }
.Ltmp2:
0x75: {  	_ = 	snop;
	(pc) =	sbr.rel @p0 .LBB2_1-.Ltmp2, $4  }
0x76: {  	[hbm4b:s5+s2] =	stream.linear.scatter [tilespmem:s10], [sflag:$0x3], $0x80, $0x38;
	[tilespmem:$0xDC80] =	vst v63  }
0x77: {  	_ =	swait.ge [sflag:s11], $0x80  }
0x78: {  	[sflag:s11] =	ssyncset.done $0x0  }
0x79: {  	[sflag:s11] =	ssyncadd.s32 $0xFFFFFF80  }
0x7a: {  	_ =	sfence.sel $0x180000  }
0x7b: {  	[bflag:$0x0] =	sbarrier.arrive $0xFFFF  }
0x7c: {  	p0 =	sne.s32 s0, $0x0;
	_ =	strace $0x90000047  }
0x7d: {  	s0 =	sadd.s32 @!p0 $0x100000, s1;
	[bflag:$0x2] =	sbarrier.arrive $0xFFFF  }
0x7e: {  	[sflag:s0] =	ssyncadd.tile.s32 @!p0 $0x1;
	_ =	shalt  }
.Lfunc_end2:
_tile_overlayer_lowered:
.L_overlay_start_2:
0x7f: {  	(tag) =	ssettag $0x2  }
0x80: {  	s0 =	rddreg [dreg:$0x0];
	s2 =	stileid.u32  }
0x81: {  	s1 =	rddreg [dreg:$0x1];
	p0 =	sne.s32 s2, $0x0  }
0x82: {  	s3 =	rddreg [dreg:$0x2];
	[bflag:$0x3] =	sbarrier.arrive $0xFFFF;
	s2 =	simm.s32 @!p0 $0x1C03  }
0x83: {  	[timem:s3], [sflag:s2] =	dma.local @!p0 [hbm:s0], s1  }
0x84: {  	s0 =	simm.s32 @!p0 $0x3  }
0x85: {  	_ =	swait.ge @!p0 [sflag:s0], s1  }
0x86: {  	s1 =	ssub.s32 @!p0 $0x0, s1;
	[sflag:s0] =	ssyncset.done @!p0 $0x0  }
0x87: {  	[sflag:s0] =	ssyncadd.s32 @!p0 s1  }
0x88: {  	[bflag:$0x3] =	sbarrier.arrive $0xFFFF  }
0x89: {  	_ =	shalt  }

</sc_bundles>
